<compile_context>
chip_gen: v7x
topology: tpu7x:2x2x1
jax: 0.10.2.dev20260603
libtpu: 0.0.44.dev20260713+nightly
codegen_flags: <defaults>
</compile_context>

<pallas_src>
import functools

import jax
import jax.numpy as jnp
from jax import lax
from jax.experimental import pallas as pl
from jax.experimental.pallas import tpu as pltpu
from jax.experimental.pallas import tpu_sc as plsc

_F = 384
_C = 384
_K_SIZE = _F * _C
_PB = 7168

_NW = 32
_CHUNK_ROWS = 4
_LANES = 128
_NNZ_PAD = _NW * _CHUNK_ROWS * _LANES
_SLICE = _K_SIZE // 16


def _scatter_body(idx_hbm, val_hbm, zero_hbm, out_hbm, idx_v, val_v, kacc):
    cid = lax.axis_index("c")
    sid = lax.axis_index("s")
    g = sid * 2 + cid
    pltpu.sync_copy(zero_hbm.at[pl.ds(sid * _SLICE, _SLICE)],
                    kacc.at[pl.ds(sid * _SLICE, _SLICE)])
    pltpu.sync_copy(idx_hbm.at[g], idx_v)
    pltpu.sync_copy(val_hbm.at[g], val_v)
    plsc.subcore_barrier()
    for j in range(_CHUNK_ROWS):
        pltpu.sync_copy(val_v.at[j], kacc.at[idx_v.at[j]], add=True)
    plsc.subcore_barrier()
    pltpu.sync_copy(kacc.at[pl.ds(sid * _SLICE, _SLICE)],
                    out_hbm.at[cid, pl.ds(sid * _SLICE, _SLICE)])


@jax.jit
def _build_kernel_coo(values, row_ids, col_ids):
    flat_idx = row_ids * _C + col_ids
    pad = _NNZ_PAD - values.shape[0]
    idx = jnp.concatenate([flat_idx, jnp.zeros((pad,), jnp.int32)])
    val = jnp.concatenate([values, jnp.zeros((pad,), jnp.float32)])
    idx = idx.reshape(_NW, _CHUNK_ROWS, _LANES)
    val = val.reshape(_NW, _CHUNK_ROWS, _LANES)
    zero = jnp.zeros((_K_SIZE,), jnp.float32)
    mesh = plsc.VectorSubcoreMesh(core_axis_name="c", subcore_axis_name="s")
    fn = functools.partial(
        pl.kernel,
        mesh=mesh,
        out_type=jax.ShapeDtypeStruct((2, _K_SIZE), jnp.float32),
        scratch_types=[
            pltpu.VMEM((_CHUNK_ROWS, _LANES), jnp.int32),
            pltpu.VMEM((_CHUNK_ROWS, _LANES), jnp.float32),
            pltpu.VMEM_SHARED((_K_SIZE,), jnp.float32),
        ],
    )(_scatter_body)
    return fn(idx, val, zero)


def _mm_body(k_ref, x_ref, o_ref):
    kmat = (k_ref[0] + k_ref[1]).astype(jnp.bfloat16)
    o_ref[...] = jax.lax.dot_general(
        kmat, x_ref[...],
        dimension_numbers=(((1,), (0,)), ((), ())),
        preferred_element_type=jnp.float32,
    ).astype(jnp.bfloat16)


@functools.partial(jax.jit, static_argnames=("pb",))
def _matmul(kparts, x, pb=_PB):
    p = x.shape[1]
    return pl.pallas_call(
        _mm_body,
        grid=(p // pb,),
        in_specs=[
            pl.BlockSpec((2, _F, _C), lambda i: (0, 0, 0)),
            pl.BlockSpec((_C, pb), lambda i: (0, i)),
        ],
        out_specs=pl.BlockSpec((_F, pb), lambda i: (0, i)),
        out_shape=jax.ShapeDtypeStruct((_F, p), jnp.bfloat16),
        compiler_params=pltpu.CompilerParams(
            dimension_semantics=("parallel",),
        ),
    )(kparts, x)


def kernel(inputs, values, row_ids, col_ids):
    b, c, h, w = inputs.shape
    kparts = _build_kernel_coo(values, row_ids, col_ids).reshape(2, _F, _C)
    flat = inputs.reshape(c, h * w).astype(jnp.bfloat16)
    out = _matmul(kparts, flat)
    return out.astype(jnp.float32).reshape(b, _F, h, w)

# --- scband reference (transcript-rebuilt; emitter-appended) ---
"""Pipeline reference for scband-sparse-conv2-d-58188216926912 (READ-ONLY COPY).

The authoritative reference and input builder live on the scoring server;
editing this copy changes nothing except your own understanding.
"""

import jax, jax.numpy as jnp
import numpy as np

F = 384
C = 384
H = 224
W = 224
NNZ = 14746

def setup_inputs(seed: int = 0) -> dict:
    key = jax.random.key(seed)
    k1, k2, k3, k4 = jax.random.split(key, 4)
    inputs = jax.random.normal(k1, (1, C, H, W), dtype=jnp.float32)
    # Learned sparse kernel parameters (SparseMatrix with ~90% sparsity):
    # COO representation with row-sorted indices.
    values = jax.random.normal(k2, (NNZ,), dtype=jnp.float32) * 0.05
    row_ids = jnp.sort(jax.random.randint(k3, (NNZ,), 0, F, dtype=jnp.int32))
    col_ids = jax.random.randint(k4, (NNZ,), 0, C, dtype=jnp.int32)
    return {"inputs": inputs, "values": values, "row_ids": row_ids, "col_ids": col_ids}

def reference(inputs, values, row_ids, col_ids):
    # SparseConv2D.call: 1x1 sparse conv == spmm(kernel[F, C], flat_inputs[C, H*W]).
    B, Cin, Hh, Ww = inputs.shape
    flat_inputs = inputs.reshape(Cin, Hh * Ww)
    # Materialize the sparse kernel via scatter-add (SparseCore scatter primitive),
    # then contract: out[f, p] = sum_c kernel[f, c] * flat_inputs[c, p].
    kernel = jnp.zeros((F, Cin), dtype=values.dtype).at[row_ids, col_ids].add(values)
    flat_output = kernel @ flat_inputs
    out = flat_output.reshape(1, F, Hh, Ww)
    # use_bias=False, activation=None -> return as-is
    return out

if __name__ == "__main__":
    import jax
    _d = setup_inputs()
    print(jax.jit(kernel)(*tuple(_d.values())))

</pallas_src>

<mosaic_0001>
#map = affine_map<(d0, d1) -> (0, 0, 0)>
#map1 = affine_map<(d0, d1) -> (0)>
#map2 = affine_map<(d0, d1) -> (0, 0)>
module attributes {stable_mosaic.version = 14 : i64} {
  func.func @_scatter_body(%arg0: i32, %arg1: i32, %arg2: memref<32x4x128xi32, #tpu.memory_space<hbm>>, %arg3: memref<32x4x128xf32, #tpu.memory_space<hbm>>, %arg4: memref<147456xf32, #tpu.memory_space<hbm>>, %arg5: memref<2x147456xf32, #tpu.memory_space<hbm>>, %arg6: memref<4x128xi32, #tpu.memory_space<vmem>>, %arg7: memref<4x128xf32, #tpu.memory_space<vmem>>, %arg8: memref<147456xf32, #tpu.memory_space<vmem_shared>>) attributes {dimension_semantics = [#tpu.dimension_semantics<core_parallel>, #tpu.dimension_semantics<subcore_parallel>], iteration_bounds = array<i64: 2, 16>, scalar_prefetch = 0 : i64, scratch_operands = 3 : i64, tpu.core_type = #tpu.core_type<sc_vector_subcore>, window_params = [{transform_indices = #map}, {transform_indices = #map}, {transform_indices = #map1}, {transform_indices = #map2}]} {
    %mul3A = arith.constant 2 : i32
    %mul3A_0 = arith.muli %arg1, %mul3A : i32
    %add3A = arith.addi %mul3A_0, %arg0 : i32
    %mul3A_1 = arith.constant 9216 : i32
    %mul3A_2 = arith.muli %arg1, %mul3A_1 : i32
    %mul3A_3 = arith.constant 9216 : i32
    %mul3A_4 = arith.muli %arg1, %mul3A_3 : i32
    "tpu.region"() ({
      %run_scoped3A_17 = tpu.sem_alloc : memref<!tpu.dma_semaphore, #tpu.memory_space<semaphore_mem>>
      %dma_start3A = tpu.memref_slice %arg8[%mul3A_4] : memref<147456xf32, #tpu.memory_space<vmem_shared>> -> memref<9216xf32, #tpu.memory_space<vmem_shared>>
      %dma_start3A_18 = tpu.memref_slice %arg4[%mul3A_2] : memref<147456xf32, #tpu.memory_space<hbm>> -> memref<9216xf32, #tpu.memory_space<hbm>>
      tpu.enqueue_dma source(%dma_start3A_18 : memref<9216xf32, #tpu.memory_space<hbm>>) target(%dma_start3A : memref<9216xf32, #tpu.memory_space<vmem_shared>>) target_semaphore(%run_scoped3A_17 : memref<!tpu.dma_semaphore, #tpu.memory_space<semaphore_mem>>)
      %dma_wait3A = tpu.memref_slice %arg8[%mul3A_4] : memref<147456xf32, #tpu.memory_space<vmem_shared>> -> memref<9216xf32, #tpu.memory_space<vmem_shared>>
      %dma_wait3A_19 = tpu.memref_slice %arg4[%mul3A_2] : memref<147456xf32, #tpu.memory_space<hbm>> -> memref<9216xf32, #tpu.memory_space<hbm>>
      tpu.wait_dma2 semaphore(%run_scoped3A_17 : memref<!tpu.dma_semaphore, #tpu.memory_space<semaphore_mem>>) src(%dma_wait3A_19 : memref<9216xf32, #tpu.memory_space<hbm>>) dst(%dma_wait3A : memref<9216xf32, #tpu.memory_space<vmem_shared>>)
      tpu.yield
    }) : () -> ()
    "tpu.region"() ({
      %run_scoped3A_17 = tpu.sem_alloc : memref<!tpu.dma_semaphore, #tpu.memory_space<semaphore_mem>>
      %dma_start3A = arith.constant 0 : i32
      %dma_start3A_18 = arith.constant 0 : i32
      %dma_start3A_19 = tpu.memref_slice %arg2[%add3A, %dma_start3A, %dma_start3A_18] : memref<32x4x128xi32, #tpu.memory_space<hbm>> -> memref<1x4x128xi32, #tpu.memory_space<hbm>>
      %dma_start3A_20 = tpu.memref_squeeze %dma_start3A_19 : memref<1x4x128xi32, #tpu.memory_space<hbm>> -> memref<4x128xi32, #tpu.memory_space<hbm>>
      %dma_start3A_21 = arith.constant 0 : i32
      %dma_start3A_22 = arith.constant 0 : i32
      %dma_start3A_23 = tpu.memref_slice %arg2[%add3A, %dma_start3A_21, %dma_start3A_22] : memref<32x4x128xi32, #tpu.memory_space<hbm>> -> memref<1x4x128xi32, #tpu.memory_space<hbm>>
      %dma_start3A_24 = tpu.memref_squeeze %dma_start3A_23 : memref<1x4x128xi32, #tpu.memory_space<hbm>> -> memref<4x128xi32, #tpu.memory_space<hbm>>
      tpu.enqueue_dma source(%dma_start3A_24 : memref<4x128xi32, #tpu.memory_space<hbm>>) target(%arg6 : memref<4x128xi32, #tpu.memory_space<vmem>>) target_semaphore(%run_scoped3A_17 : memref<!tpu.dma_semaphore, #tpu.memory_space<semaphore_mem>>)
      %dma_wait3A = arith.constant 0 : i32
      %dma_wait3A_25 = arith.constant 0 : i32
      %dma_wait3A_26 = tpu.memref_slice %arg2[%add3A, %dma_wait3A, %dma_wait3A_25] : memref<32x4x128xi32, #tpu.memory_space<hbm>> -> memref<1x4x128xi32, #tpu.memory_space<hbm>>
      %dma_wait3A_27 = tpu.memref_squeeze %dma_wait3A_26 : memref<1x4x128xi32, #tpu.memory_space<hbm>> -> memref<4x128xi32, #tpu.memory_space<hbm>>
      %dma_wait3A_28 = arith.constant 0 : i32
      %dma_wait3A_29 = arith.constant 0 : i32
      %dma_wait3A_30 = tpu.memref_slice %arg2[%add3A, %dma_wait3A_28, %dma_wait3A_29] : memref<32x4x128xi32, #tpu.memory_space<hbm>> -> memref<1x4x128xi32, #tpu.memory_space<hbm>>
      %dma_wait3A_31 = tpu.memref_squeeze %dma_wait3A_30 : memref<1x4x128xi32, #tpu.memory_space<hbm>> -> memref<4x128xi32, #tpu.memory_space<hbm>>
      tpu.wait_dma2 semaphore(%run_scoped3A_17 : memref<!tpu.dma_semaphore, #tpu.memory_space<semaphore_mem>>) src(%dma_wait3A_31 : memref<4x128xi32, #tpu.memory_space<hbm>>) dst(%arg6 : memref<4x128xi32, #tpu.memory_space<vmem>>)
      tpu.yield
    }) : () -> ()
    "tpu.region"() ({
      %run_scoped3A_17 = tpu.sem_alloc : memref<!tpu.dma_semaphore, #tpu.memory_space<semaphore_mem>>
      %dma_start3A = arith.constant 0 : i32
      %dma_start3A_18 = arith.constant 0 : i32
      %dma_start3A_19 = tpu.memref_slice %arg3[%add3A, %dma_start3A, %dma_start3A_18] : memref<32x4x128xf32, #tpu.memory_space<hbm>> -> memref<1x4x128xf32, #tpu.memory_space<hbm>>
      %dma_start3A_20 = tpu.memref_squeeze %dma_start3A_19 : memref<1x4x128xf32, #tpu.memory_space<hbm>> -> memref<4x128xf32, #tpu.memory_space<hbm>>
      %dma_start3A_21 = arith.constant 0 : i32
      %dma_start3A_22 = arith.constant 0 : i32
      %dma_start3A_23 = tpu.memref_slice %arg3[%add3A, %dma_start3A_21, %dma_start3A_22] : memref<32x4x128xf32, #tpu.memory_space<hbm>> -> memref<1x4x128xf32, #tpu.memory_space<hbm>>
      %dma_start3A_24 = tpu.memref_squeeze %dma_start3A_23 : memref<1x4x128xf32, #tpu.memory_space<hbm>> -> memref<4x128xf32, #tpu.memory_space<hbm>>
      tpu.enqueue_dma source(%dma_start3A_24 : memref<4x128xf32, #tpu.memory_space<hbm>>) target(%arg7 : memref<4x128xf32, #tpu.memory_space<vmem>>) target_semaphore(%run_scoped3A_17 : memref<!tpu.dma_semaphore, #tpu.memory_space<semaphore_mem>>)
      %dma_wait3A = arith.constant 0 : i32
      %dma_wait3A_25 = arith.constant 0 : i32
      %dma_wait3A_26 = tpu.memref_slice %arg3[%add3A, %dma_wait3A, %dma_wait3A_25] : memref<32x4x128xf32, #tpu.memory_space<hbm>> -> memref<1x4x128xf32, #tpu.memory_space<hbm>>
      %dma_wait3A_27 = tpu.memref_squeeze %dma_wait3A_26 : memref<1x4x128xf32, #tpu.memory_space<hbm>> -> memref<4x128xf32, #tpu.memory_space<hbm>>
      %dma_wait3A_28 = arith.constant 0 : i32
      %dma_wait3A_29 = arith.constant 0 : i32
      %dma_wait3A_30 = tpu.memref_slice %arg3[%add3A, %dma_wait3A_28, %dma_wait3A_29] : memref<32x4x128xf32, #tpu.memory_space<hbm>> -> memref<1x4x128xf32, #tpu.memory_space<hbm>>
      %dma_wait3A_31 = tpu.memref_squeeze %dma_wait3A_30 : memref<1x4x128xf32, #tpu.memory_space<hbm>> -> memref<4x128xf32, #tpu.memory_space<hbm>>
      tpu.wait_dma2 semaphore(%run_scoped3A_17 : memref<!tpu.dma_semaphore, #tpu.memory_space<semaphore_mem>>) src(%dma_wait3A_31 : memref<4x128xf32, #tpu.memory_space<hbm>>) dst(%arg7 : memref<4x128xf32, #tpu.memory_space<vmem>>)
      tpu.yield
    }) : () -> ()
    %barrier3A = arith.constant 0 : index
    tpu.barrier barrier_id(%barrier3A)
    %run_scoped3A = arith.constant 0 : i32
    %run_scoped3A_5 = arith.constant 0 : i32
    "tpu.region"() ({
      %run_scoped3A_17 = tpu.sem_alloc : memref<!tpu.dma_semaphore, #tpu.memory_space<semaphore_mem>>
      %dma_start3A = arith.constant 0 : i32
      %dma_start3A_18 = tpu.memref_slice %arg7[%run_scoped3A, %dma_start3A] : memref<4x128xf32, #tpu.memory_space<vmem>> -> memref<1x128xf32, #tpu.memory_space<vmem>>
      %dma_start3A_19 = tpu.memref_squeeze %dma_start3A_18 : memref<1x128xf32, #tpu.memory_space<vmem>> -> memref<128xf32, #tpu.memory_space<vmem>>
      %dma_start3A_20 = arith.constant 0 : i32
      %dma_start3A_21 = tpu.memref_slice %arg6[%run_scoped3A_5, %dma_start3A_20] : memref<4x128xi32, #tpu.memory_space<vmem>> -> memref<1x128xi32, #tpu.memory_space<vmem>>
      %dma_start3A_22 = tpu.memref_squeeze %dma_start3A_21 : memref<1x128xi32, #tpu.memory_space<vmem>> -> memref<128xi32, #tpu.memory_space<vmem>>
      %dma_start3A_23 = arith.constant 0 : i32
      %dma_start3A_24 = tpu.memref_slice %arg8[%dma_start3A_23] : memref<147456xf32, #tpu.memory_space<vmem_shared>> -> memref<147456xf32, #tpu.memory_space<vmem_shared>>
      tpu.enqueue_indirect_dma source(%dma_start3A_19 : memref<128xf32, #tpu.memory_space<vmem>>) target(%dma_start3A_24 : memref<147456xf32, #tpu.memory_space<vmem_shared>>) offsets(%dma_start3A_22 : memref<128xi32, #tpu.memory_space<vmem>>) semaphore(%run_scoped3A_17 : memref<!tpu.dma_semaphore, #tpu.memory_space<semaphore_mem>>) {add = true}
      %dma_wait3A = arith.constant 0 : i32
      %dma_wait3A_25 = tpu.memref_slice %arg7[%run_scoped3A, %dma_wait3A] : memref<4x128xf32, #tpu.memory_space<vmem>> -> memref<1x128xf32, #tpu.memory_space<vmem>>
      %dma_wait3A_26 = tpu.memref_squeeze %dma_wait3A_25 : memref<1x128xf32, #tpu.memory_space<vmem>> -> memref<128xf32, #tpu.memory_space<vmem>>
      %dma_wait3A_27 = arith.constant 0 : i32
      %dma_wait3A_28 = tpu.memref_slice %arg6[%run_scoped3A_5, %dma_wait3A_27] : memref<4x128xi32, #tpu.memory_space<vmem>> -> memref<1x128xi32, #tpu.memory_space<vmem>>
      %dma_wait3A_29 = tpu.memref_squeeze %dma_wait3A_28 : memref<1x128xi32, #tpu.memory_space<vmem>> -> memref<128xi32, #tpu.memory_space<vmem>>
      %dma_wait3A_30 = arith.constant 0 : i32
      %dma_wait3A_31 = tpu.memref_slice %arg8[%dma_wait3A_30] : memref<147456xf32, #tpu.memory_space<vmem_shared>> -> memref<147456xf32, #tpu.memory_space<vmem_shared>>
      tpu.wait_indirect_dma semaphore(%run_scoped3A_17 : memref<!tpu.dma_semaphore, #tpu.memory_space<semaphore_mem>>) src(%dma_wait3A_26 : memref<128xf32, #tpu.memory_space<vmem>>) dst(%dma_wait3A_31 : memref<147456xf32, #tpu.memory_space<vmem_shared>>)
      tpu.yield
    }) : () -> ()
    %run_scoped3A_6 = arith.constant 1 : i32
    %run_scoped3A_7 = arith.constant 1 : i32
    "tpu.region"() ({
      %run_scoped3A_17 = tpu.sem_alloc : memref<!tpu.dma_semaphore, #tpu.memory_space<semaphore_mem>>
      %dma_start3A = arith.constant 0 : i32
      %dma_start3A_18 = tpu.memref_slice %arg7[%run_scoped3A_6, %dma_start3A] : memref<4x128xf32, #tpu.memory_space<vmem>> -> memref<1x128xf32, #tpu.memory_space<vmem>>
      %dma_start3A_19 = tpu.memref_squeeze %dma_start3A_18 : memref<1x128xf32, #tpu.memory_space<vmem>> -> memref<128xf32, #tpu.memory_space<vmem>>
      %dma_start3A_20 = arith.constant 0 : i32
      %dma_start3A_21 = tpu.memref_slice %arg6[%run_scoped3A_7, %dma_start3A_20] : memref<4x128xi32, #tpu.memory_space<vmem>> -> memref<1x128xi32, #tpu.memory_space<vmem>>
      %dma_start3A_22 = tpu.memref_squeeze %dma_start3A_21 : memref<1x128xi32, #tpu.memory_space<vmem>> -> memref<128xi32, #tpu.memory_space<vmem>>
      %dma_start3A_23 = arith.constant 0 : i32
      %dma_start3A_24 = tpu.memref_slice %arg8[%dma_start3A_23] : memref<147456xf32, #tpu.memory_space<vmem_shared>> -> memref<147456xf32, #tpu.memory_space<vmem_shared>>
      tpu.enqueue_indirect_dma source(%dma_start3A_19 : memref<128xf32, #tpu.memory_space<vmem>>) target(%dma_start3A_24 : memref<147456xf32, #tpu.memory_space<vmem_shared>>) offsets(%dma_start3A_22 : memref<128xi32, #tpu.memory_space<vmem>>) semaphore(%run_scoped3A_17 : memref<!tpu.dma_semaphore, #tpu.memory_space<semaphore_mem>>) {add = true}
      %dma_wait3A = arith.constant 0 : i32
      %dma_wait3A_25 = tpu.memref_slice %arg7[%run_scoped3A_6, %dma_wait3A] : memref<4x128xf32, #tpu.memory_space<vmem>> -> memref<1x128xf32, #tpu.memory_space<vmem>>
      %dma_wait3A_26 = tpu.memref_squeeze %dma_wait3A_25 : memref<1x128xf32, #tpu.memory_space<vmem>> -> memref<128xf32, #tpu.memory_space<vmem>>
      %dma_wait3A_27 = arith.constant 0 : i32
      %dma_wait3A_28 = tpu.memref_slice %arg6[%run_scoped3A_7, %dma_wait3A_27] : memref<4x128xi32, #tpu.memory_space<vmem>> -> memref<1x128xi32, #tpu.memory_space<vmem>>
      %dma_wait3A_29 = tpu.memref_squeeze %dma_wait3A_28 : memref<1x128xi32, #tpu.memory_space<vmem>> -> memref<128xi32, #tpu.memory_space<vmem>>
      %dma_wait3A_30 = arith.constant 0 : i32
      %dma_wait3A_31 = tpu.memref_slice %arg8[%dma_wait3A_30] : memref<147456xf32, #tpu.memory_space<vmem_shared>> -> memref<147456xf32, #tpu.memory_space<vmem_shared>>
      tpu.wait_indirect_dma semaphore(%run_scoped3A_17 : memref<!tpu.dma_semaphore, #tpu.memory_space<semaphore_mem>>) src(%dma_wait3A_26 : memref<128xf32, #tpu.memory_space<vmem>>) dst(%dma_wait3A_31 : memref<147456xf32, #tpu.memory_space<vmem_shared>>)
      tpu.yield
    }) : () -> ()
    %run_scoped3A_8 = arith.constant 2 : i32
    %run_scoped3A_9 = arith.constant 2 : i32
    "tpu.region"() ({
      %run_scoped3A_17 = tpu.sem_alloc : memref<!tpu.dma_semaphore, #tpu.memory_space<semaphore_mem>>
      %dma_start3A = arith.constant 0 : i32
      %dma_start3A_18 = tpu.memref_slice %arg7[%run_scoped3A_8, %dma_start3A] : memref<4x128xf32, #tpu.memory_space<vmem>> -> memref<1x128xf32, #tpu.memory_space<vmem>>
      %dma_start3A_19 = tpu.memref_squeeze %dma_start3A_18 : memref<1x128xf32, #tpu.memory_space<vmem>> -> memref<128xf32, #tpu.memory_space<vmem>>
      %dma_start3A_20 = arith.constant 0 : i32
      %dma_start3A_21 = tpu.memref_slice %arg6[%run_scoped3A_9, %dma_start3A_20] : memref<4x128xi32, #tpu.memory_space<vmem>> -> memref<1x128xi32, #tpu.memory_space<vmem>>
      %dma_start3A_22 = tpu.memref_squeeze %dma_start3A_21 : memref<1x128xi32, #tpu.memory_space<vmem>> -> memref<128xi32, #tpu.memory_space<vmem>>
      %dma_start3A_23 = arith.constant 0 : i32
      %dma_start3A_24 = tpu.memref_slice %arg8[%dma_start3A_23] : memref<147456xf32, #tpu.memory_space<vmem_shared>> -> memref<147456xf32, #tpu.memory_space<vmem_shared>>
      tpu.enqueue_indirect_dma source(%dma_start3A_19 : memref<128xf32, #tpu.memory_space<vmem>>) target(%dma_start3A_24 : memref<147456xf32, #tpu.memory_space<vmem_shared>>) offsets(%dma_start3A_22 : memref<128xi32, #tpu.memory_space<vmem>>) semaphore(%run_scoped3A_17 : memref<!tpu.dma_semaphore, #tpu.memory_space<semaphore_mem>>) {add = true}
      %dma_wait3A = arith.constant 0 : i32
      %dma_wait3A_25 = tpu.memref_slice %arg7[%run_scoped3A_8, %dma_wait3A] : memref<4x128xf32, #tpu.memory_space<vmem>> -> memref<1x128xf32, #tpu.memory_space<vmem>>
      %dma_wait3A_26 = tpu.memref_squeeze %dma_wait3A_25 : memref<1x128xf32, #tpu.memory_space<vmem>> -> memref<128xf32, #tpu.memory_space<vmem>>
      %dma_wait3A_27 = arith.constant 0 : i32
      %dma_wait3A_28 = tpu.memref_slice %arg6[%run_scoped3A_9, %dma_wait3A_27] : memref<4x128xi32, #tpu.memory_space<vmem>> -> memref<1x128xi32, #tpu.memory_space<vmem>>
      %dma_wait3A_29 = tpu.memref_squeeze %dma_wait3A_28 : memref<1x128xi32, #tpu.memory_space<vmem>> -> memref<128xi32, #tpu.memory_space<vmem>>
      %dma_wait3A_30 = arith.constant 0 : i32
      %dma_wait3A_31 = tpu.memref_slice %arg8[%dma_wait3A_30] : memref<147456xf32, #tpu.memory_space<vmem_shared>> -> memref<147456xf32, #tpu.memory_space<vmem_shared>>
      tpu.wait_indirect_dma semaphore(%run_scoped3A_17 : memref<!tpu.dma_semaphore, #tpu.memory_space<semaphore_mem>>) src(%dma_wait3A_26 : memref<128xf32, #tpu.memory_space<vmem>>) dst(%dma_wait3A_31 : memref<147456xf32, #tpu.memory_space<vmem_shared>>)
      tpu.yield
    }) : () -> ()
    %run_scoped3A_10 = arith.constant 3 : i32
    %run_scoped3A_11 = arith.constant 3 : i32
    "tpu.region"() ({
      %run_scoped3A_17 = tpu.sem_alloc : memref<!tpu.dma_semaphore, #tpu.memory_space<semaphore_mem>>
      %dma_start3A = arith.constant 0 : i32
      %dma_start3A_18 = tpu.memref_slice %arg7[%run_scoped3A_10, %dma_start3A] : memref<4x128xf32, #tpu.memory_space<vmem>> -> memref<1x128xf32, #tpu.memory_space<vmem>>
      %dma_start3A_19 = tpu.memref_squeeze %dma_start3A_18 : memref<1x128xf32, #tpu.memory_space<vmem>> -> memref<128xf32, #tpu.memory_space<vmem>>
      %dma_start3A_20 = arith.constant 0 : i32
      %dma_start3A_21 = tpu.memref_slice %arg6[%run_scoped3A_11, %dma_start3A_20] : memref<4x128xi32, #tpu.memory_space<vmem>> -> memref<1x128xi32, #tpu.memory_space<vmem>>
      %dma_start3A_22 = tpu.memref_squeeze %dma_start3A_21 : memref<1x128xi32, #tpu.memory_space<vmem>> -> memref<128xi32, #tpu.memory_space<vmem>>
      %dma_start3A_23 = arith.constant 0 : i32
      %dma_start3A_24 = tpu.memref_slice %arg8[%dma_start3A_23] : memref<147456xf32, #tpu.memory_space<vmem_shared>> -> memref<147456xf32, #tpu.memory_space<vmem_shared>>
      tpu.enqueue_indirect_dma source(%dma_start3A_19 : memref<128xf32, #tpu.memory_space<vmem>>) target(%dma_start3A_24 : memref<147456xf32, #tpu.memory_space<vmem_shared>>) offsets(%dma_start3A_22 : memref<128xi32, #tpu.memory_space<vmem>>) semaphore(%run_scoped3A_17 : memref<!tpu.dma_semaphore, #tpu.memory_space<semaphore_mem>>) {add = true}
      %dma_wait3A = arith.constant 0 : i32
      %dma_wait3A_25 = tpu.memref_slice %arg7[%run_scoped3A_10, %dma_wait3A] : memref<4x128xf32, #tpu.memory_space<vmem>> -> memref<1x128xf32, #tpu.memory_space<vmem>>
      %dma_wait3A_26 = tpu.memref_squeeze %dma_wait3A_25 : memref<1x128xf32, #tpu.memory_space<vmem>> -> memref<128xf32, #tpu.memory_space<vmem>>
      %dma_wait3A_27 = arith.constant 0 : i32
      %dma_wait3A_28 = tpu.memref_slice %arg6[%run_scoped3A_11, %dma_wait3A_27] : memref<4x128xi32, #tpu.memory_space<vmem>> -> memref<1x128xi32, #tpu.memory_space<vmem>>
      %dma_wait3A_29 = tpu.memref_squeeze %dma_wait3A_28 : memref<1x128xi32, #tpu.memory_space<vmem>> -> memref<128xi32, #tpu.memory_space<vmem>>
      %dma_wait3A_30 = arith.constant 0 : i32
      %dma_wait3A_31 = tpu.memref_slice %arg8[%dma_wait3A_30] : memref<147456xf32, #tpu.memory_space<vmem_shared>> -> memref<147456xf32, #tpu.memory_space<vmem_shared>>
      tpu.wait_indirect_dma semaphore(%run_scoped3A_17 : memref<!tpu.dma_semaphore, #tpu.memory_space<semaphore_mem>>) src(%dma_wait3A_26 : memref<128xf32, #tpu.memory_space<vmem>>) dst(%dma_wait3A_31 : memref<147456xf32, #tpu.memory_space<vmem_shared>>)
      tpu.yield
    }) : () -> ()
    %barrier3A_12 = arith.constant 0 : index
    tpu.barrier barrier_id(%barrier3A_12)
    %mul3A_13 = arith.constant 9216 : i32
    %mul3A_14 = arith.muli %arg1, %mul3A_13 : i32
    %mul3A_15 = arith.constant 9216 : i32
    %mul3A_16 = arith.muli %arg1, %mul3A_15 : i32
    "tpu.region"() ({
      %run_scoped3A_17 = tpu.sem_alloc : memref<!tpu.dma_semaphore, #tpu.memory_space<semaphore_mem>>
      %dma_start3A = tpu.memref_slice %arg5[%arg0, %mul3A_16] : memref<2x147456xf32, #tpu.memory_space<hbm>> -> memref<1x9216xf32, #tpu.memory_space<hbm>>
      %dma_start3A_18 = tpu.memref_squeeze %dma_start3A : memref<1x9216xf32, #tpu.memory_space<hbm>> -> memref<9216xf32, #tpu.memory_space<hbm>>
      %dma_start3A_19 = tpu.memref_slice %arg8[%mul3A_14] : memref<147456xf32, #tpu.memory_space<vmem_shared>> -> memref<9216xf32, #tpu.memory_space<vmem_shared>>
      tpu.enqueue_dma source(%dma_start3A_19 : memref<9216xf32, #tpu.memory_space<vmem_shared>>) target(%dma_start3A_18 : memref<9216xf32, #tpu.memory_space<hbm>>) target_semaphore(%run_scoped3A_17 : memref<!tpu.dma_semaphore, #tpu.memory_space<semaphore_mem>>)
      %dma_wait3A = tpu.memref_slice %arg5[%arg0, %mul3A_16] : memref<2x147456xf32, #tpu.memory_space<hbm>> -> memref<1x9216xf32, #tpu.memory_space<hbm>>
      %dma_wait3A_20 = tpu.memref_squeeze %dma_wait3A : memref<1x9216xf32, #tpu.memory_space<hbm>> -> memref<9216xf32, #tpu.memory_space<hbm>>
      %dma_wait3A_21 = tpu.memref_slice %arg8[%mul3A_14] : memref<147456xf32, #tpu.memory_space<vmem_shared>> -> memref<9216xf32, #tpu.memory_space<vmem_shared>>
      tpu.wait_dma2 semaphore(%run_scoped3A_17 : memref<!tpu.dma_semaphore, #tpu.memory_space<semaphore_mem>>) src(%dma_wait3A_21 : memref<9216xf32, #tpu.memory_space<vmem_shared>>) dst(%dma_wait3A_20 : memref<9216xf32, #tpu.memory_space<hbm>>)
      tpu.yield
    }) : () -> ()
    return
  }
}

</mosaic_0001>

<sc_bundles>
// kernel: _build_kernel_coo.3.cloned.1.call-start
scs
__scs_entry_jumppad:
0x0: {  	(pc) =	sbr.rel $0x88, $3  }
0x1: {  	(tag) =	ssettag $0x0;
	lr =	simm.s32 $0x1  }
0x2: {  	[smem:$0x3F9E] =	sst lr;
	_ =	strace $0xD0000000  }
0x3: {  	_ = 	snop  }
0x4: {  	_ = 	snop  }
0x5: {  	_ = 	snop  }
0x6: {  	_ = 	snop  }
0x7: {  	_ = 	snop  }
__scs_overlays_trampoline_lowered:
0x8: {  	[smem:$0x3FAD] =	sst s0  }
0x9: {  	[smem:$0x3FAE] =	sst s1  }
0xa: {  	[smem:$0x3FAF] =	sst s2  }
0xb: {  	[smem:$0x3FB0] =	sst s3  }
0xc: {  	[smem:$0x3FB1] =	sst s4  }
0xd: {  	[smem:$0x3FB2] =	sst s5  }
0xe: {  	[smem:$0x3FB3] =	sst s6  }
0xf: {  	[smem:$0x3FB4] =	sst s7  }
0x10: {  	[smem:$0x3FB5] =	sst s8  }
0x11: {  	[smem:$0x3FB6] =	sst s9;
	s0 =	simm.s32 @!p0 $0x0  }
0x12: {  	s1 =	sld [smem:$0x3F9C];
	s0 =	simm.s32 @p0 $0x1  }
0x13: {  	[smem:$0x3FB7] =	sst s0;
	s0 =	simm.s32 @!p1 $0x0  }
0x14: {  	s2 =	sld [smem:$0x3F9B];
	s0 =	simm.s32 @p1 $0x1  }
0x15: {  	[smem:$0x3FB8] =	sst s0;
	s0 =	simm.s32 @!p2 $0x0  }
0x16: {  	s3 =	sld [smem:$0x3FDB];
	s0 =	simm.s32 @p2 $0x1  }
0x17: {  	s4 =	simm.s32 $0x1BF5;
	[smem:$0x3FBA] =	sst s0  }
0x18: {  	s0 =	sld [smem:$0x3F9D];
	_ =	swait.ge [sflag:s4], $0x0  }
0x19: {  	s7 =	sld [smem:$0x3F9E]  }
0x1a: {  	s8 =	sadd.s32 $0xFFFFE003, lr  }
0x1b: {  	s9 =	sadd.s32 $0xFFFFFEF7, lr;
	s5 =	simm.s32 $0xFFFFFFFF;
	p2 =	slt.u32 s8, $0xFFFFF086  }
0x1c: {  	p1 =	slt.u32 s9, $0xF7A;
	s5 =	simm.s32 @!p2 $0x0  }
0x1d: {  	s5 =	simm.s32 @p1 $0x1;
	p0 =	seq.s32 s7, s2  }
0x1e: {  	s7 =	smul.u32 @!p0 $0xF7A, s2;
	p2 =	seq.s32 @!p0 s5, $0x0  }
0x1f: {  	s9 =	smul.u32 $0xF7A, s1;
	s8 =	simm.s32 @!p0 $0x1BF5;
	p2 =	por !p2, p0  }
0x20: {  	[sflag:s8] =	ssyncset.s32 @!p0 $0xFFFFF086;
	s6 =	sadd.s32 @!p0 s3, s7;
	s7 =	simm.s32 @!p0 $0x108  }
0x21: {  	s3 =	sadd.s32 s3, s9;
	s6 =	sadd.s32 @!p0 $0x88, s6;
	s7 =	simm.s32 @p2 $0x1082  }
0x22: {  	[simem:s7], [sflag:s8] =	dma.local @!p0 [hbm:s6], $0xF7A  }
0x23: {  	s9 =	sor.u32 $0xD0000000, s2;
	s6 =	simm.s32 $0x108;
	_ =	swait.ge @!p0 [sflag:s8], $0x0  }
0x24: {  	s3 =	sadd.s32 $0x88, s3;
	s6 =	simm.s32 @!p1 $0x1082;
	[sflag:s4] =	ssyncset.s32 $0xFFFFF086  }
0x25: {  	[simem:s6], [sflag:s4] =	dma.local [hbm:s3], $0xF7A  }
0x26: {  	[smem:$0x3F9E] =	sst s1;
	(tag) =	ssettag s2;
	_ =	strace s9  }
0x27: {  	s1 =	sld [smem:$0x3FAE]  }
0x28: {  	s2 =	sld [smem:$0x3FAF]  }
0x29: {  	s4 =	sld [smem:$0x3FB1]  }
0x2a: {  	p0 =	seq.s32 s5, $0x0;
	s5 =	sld [smem:$0x3FB2]  }
0x2b: {  	s6 =	sld [smem:$0x3FB3]  }
0x2c: {  	s7 =	sld [smem:$0x3FB4]  }
0x2d: {  	s3 =	simm.s32 $0x108;
	s8 =	sld [smem:$0x3FB5]  }
0x2e: {  	s3 =	simm.s32 @!p0 $0x1082;
	s9 =	sld [smem:$0x3FB6]  }
0x2f: {  	lr =	sadd.s32 s0, s3;
	s0 =	sld [smem:$0x3FAD]  }
0x30: {  	s3 =	sld [smem:$0x3FB0]  }
0x31: {  	[smem:$0x3FB9] =	sst s10  }
0x32: {  	s10 =	sld [smem:$0x3FB7];
	_ =	sdelay $0x3  }
0x33: {  	p0 =	seq.s32 s10, $0x1;
	s10 =	sld [smem:$0x3FB9];
	_ =	sdelay $0x3  }
0x34: {  	[smem:$0x3FB9] =	sst s10  }
0x35: {  	s10 =	sld [smem:$0x3FB8];
	_ =	sdelay $0x3  }
0x36: {  	p1 =	seq.s32 s10, $0x1;
	s10 =	sld [smem:$0x3FB9];
	_ =	sdelay $0x3  }
0x37: {  	[smem:$0x3FB9] =	sst s10  }
0x38: {  	s10 =	sld [smem:$0x3FBA]  }
0x39: {  	_ = 	snop;
	(pc) =	sbr.ind lr, $3  }
0x3a: {  	_ = 	snop  }
0x3b: {  	_ = 	snop  }
0x3c: {  	p2 =	seq.s32 s10, $0x1;
	s10 =	sld [smem:$0x3FB9]  }
0x3d: {  	_ =	shalt  }
0x3e: {  	_ =	shalt  }
0x3f: {  	_ =	shalt  }
0x40: {  	_ =	shalt  }
0x41: {  	_ =	shalt  }
0x42: {  	_ =	shalt  }
0x43: {  	_ =	shalt  }
0x44: {  	_ =	shalt  }
0x45: {  	_ =	shalt  }
0x46: {  	_ =	shalt  }
0x47: {  	_ =	shalt  }
0x48: {  	_ =	shalt  }
0x49: {  	_ =	shalt  }
0x4a: {  	_ =	shalt  }
0x4b: {  	_ =	shalt  }
0x4c: {  	_ =	shalt  }
0x4d: {  	_ =	shalt  }
0x4e: {  	_ =	shalt  }
0x4f: {  	_ =	shalt  }
0x50: {  	_ =	shalt  }
0x51: {  	_ =	shalt  }
0x52: {  	_ =	shalt  }
0x53: {  	_ =	shalt  }
0x54: {  	_ =	shalt  }
0x55: {  	_ =	shalt  }
0x56: {  	_ =	shalt  }
0x57: {  	_ =	shalt  }
0x58: {  	_ =	shalt  }
0x59: {  	_ =	shalt  }
0x5a: {  	_ =	shalt  }
0x5b: {  	_ =	shalt  }
0x5c: {  	_ =	shalt  }
0x5d: {  	_ =	shalt  }
0x5e: {  	_ =	shalt  }
0x5f: {  	_ =	shalt  }
0x60: {  	_ =	shalt  }
0x61: {  	_ =	shalt  }
0x62: {  	_ =	shalt  }
0x63: {  	_ =	shalt  }
0x64: {  	_ =	shalt  }
0x65: {  	_ =	shalt  }
0x66: {  	_ =	shalt  }
0x67: {  	_ =	shalt  }
0x68: {  	_ =	shalt  }
0x69: {  	_ =	shalt  }
0x6a: {  	_ =	shalt  }
0x6b: {  	_ =	shalt  }
0x6c: {  	_ =	shalt  }
0x6d: {  	_ =	shalt  }
0x6e: {  	_ =	shalt  }
0x6f: {  	_ =	shalt  }
0x70: {  	_ =	shalt  }
0x71: {  	_ =	shalt  }
0x72: {  	_ =	shalt  }
0x73: {  	_ =	shalt  }
0x74: {  	_ =	shalt  }
0x75: {  	_ =	shalt  }
0x76: {  	_ =	shalt  }
0x77: {  	_ =	shalt  }
0x78: {  	_ =	shalt  }
0x79: {  	_ =	shalt  }
0x7a: {  	_ =	shalt  }
0x7b: {  	_ =	shalt  }
0x7c: {  	_ =	shalt  }
0x7d: {  	_ =	shalt  }
0x7e: {  	_ =	shalt  }
0x7f: {  	_ =	shalt  }
0x80: {  	_ =	shalt  }
0x81: {  	_ =	shalt  }
0x82: {  	_ =	shalt  }
0x83: {  	_ =	shalt  }
0x84: {  	_ =	shalt  }
0x85: {  	_ =	shalt  }
0x86: {  	_ =	shalt  }
0x87: {  	_ =	shalt  }
.Lfunc_end0:
.L_simem_size_0:
called_computation_lowered:
.L_overlay_start_0:
0x88: {  	s2 =	sld [smem:$0x3FD9]  }
0x89: {  	s3 =	sld [smem:$0x3FFE];
	_ =	sdelay $0x1  }
0x8a: {  	s1 =	srdreg.scid  }
0x8b: {  	s0 =	sand.u32 $0x1, s1  }
0x8c: {  	s17 =	sshll.u32 s0, $0xA;
	s2 =	sadd.s32 s3, s2  }
0x8d: {  	s2 =	sadd.s32 s2, s17  }
0x8e: {  	[smem:$0x3FC5] =	sst s2  }
0x8f: {  	_ = 	snop  }
0x90: {  	s2 =	sld [smem:$0x3FD0];
	(tm) =	ssettm $0x1  }
0x91: {  	s18 =	sld [smem:$0x3FFB];
	_ =	sdelay $0x3  }
0x92: {  	_ =	strace s18  }
0x93: {  	s3 =	sld [smem:$0x3FFC];
	_ =	sdelay $0x3  }
0x94: {  	_ =	strace s3  }
0x95: {  	s3 =	sld [smem:$0x3FFD];
	_ =	sdelay $0x3  }
0x96: {  	_ =	strace s3  }
0x97: {  	_ =	strace $0x8FFFFFFF  }
0x98: {  	s19 =	sld [smem:$0x3FDB];
	_ =	sdelay $0x1  }
0x99: {  	s4 =	simm.s32 $_scs_section_size  }
0x9a: {  	s5 =	simm.s32 $_size__tile_overlayer_lowered;
	s6 =	simm.s32 $_tile_overlayer_lowered  }
0x9b: {  	s22 =	simm.s32 $0x1BFF;
	s21 =	sshll.u32 s6, $0x1;
	s3 =	sadd.s32 s4, s19  }
0x9c: {  	s7 =	simm.s32 $0x0;
	s20 =	sshll.u32 s5, $0x1;
	s5 =	sadd.s32 s21, s3  }
0x9d: {  	[timem:s7], [sflag:s22] =	dma.local [hbm:s5], s20  }
0x9e: {  	_ =	swait.ge [sflag:s22], s20  }
0x9f: {  	s4 =	ssub.s32 $0x0, s20;
	[sflag:s22] =	ssyncset.done $0x0  }
0xa0: {  	[sflag:s22] =	ssyncadd.s32 s4;
	_ =	sdelay $0x1  }
0xa1: {  	s23 =	simm.s32 $0x1B8B  }
0xa2: {  	_ =	swait.ge [sflag:s23], $0x1  }
0xa3: {  	[sflag:s23] =	ssyncset.done $0x0  }
0xa4: {  	s25 =	simm.s32 $0x1B8E;
	s24 =	sld [smem:$0x3FFE];
	[sflag:s23] =	ssyncadd.s32 $0xFFFFFFFF  }
0xa5: {  	s26 =	simm.s32 $execute0_lowered;
	[smem:$0x3FD2] =	sst s25  }
0xa6: {  	s5 =	sshll.u32 s26, $0x1;
	_ =	strace $0x80000046;
	[dreg:$0x1] =	wrdreg $0xFFFFFFFF  }
0xa7: {  	s28 =	simm.s32 $_size_execute0_lowered;
	s3 =	sadd.s32 s3, s5;
	[dreg:$0x0] =	wrdreg $0x0  }
0xa8: {  	s5 =	sshll.u32 s28, $0x1;
	[dreg:$0x2] =	wrdreg s3  }
0xa9: {  	[dreg:$0x3] =	wrdreg s5  }
0xaa: {  	[dreg:$0x4] =	wrdreg $0xC0  }
0xab: {  	_ =	task [dreg:s7], $0x5FFFF  }
0xac: {  	[dreg:$0x1] =	wrdreg $0xFFFFFFFF  }
0xad: {  	[dreg:$0x0] =	wrdreg $0x60  }
0xae: {  	[dreg:$0x2] =	wrdreg s24  }
0xaf: {  	[dreg:$0x3] =	wrdreg s2  }
0xb0: {  	[dreg:$0x4] =	wrdreg $0x4000  }
0xb1: {  	[dreg:$0x5] =	wrdreg $0x9  }
0xb2: {  	_ =	task.clear_ibuf [dreg:s7], $0x6FFFF;
	_ =	strace $0x90000046  }
0xb3: {  	s29 =	simm.s32 $0x9;
	_ =	strace $0x80000048  }
0xb4: {  	_ =	swait.ge [sflag:s29], $0x1  }
0xb5: {  	[sflag:s29] =	ssyncadd.s32 $0xFFFFFFFF  }
0xb6: {  	_ =	strace $0x90000048  }
0xb7: {  	_ =	sfence  }
0xb8: {  	s30 =	sld [smem:$0x0];
	_ =	sdelay $0x2  }
0xb9: {  	s31 =	sshll.u32 s1, $0xD;
	s1 =	sshrl.u32 s1, $0x2  }
0xba: {  	s3 =	sand.u32 $0x4000, s31;
	s1 =	sadd.s32 s1, s30  }
0xbb: {  	s0 =	sor.u32 s3, s0;
	s1 =	sshll.u32 s1, $0x11  }
0xbc: {  	s0 =	sor.u32 s1, s0  }
0xbd: {  	s0 =	sadd.s32 $0x8F2B, s0  }
0xbe: {  	[sflag:s0] =	ssyncadd.remote.s32 $0x1  }
0xbf: {  	_ =	sfence.sel $0xFFFF  }
0xc0: {  	[dreg:$0x0] =	wrdreg $0xFFFFFFFF;
	(pc) =	sbr.abs _section_cstart, $3  }
0xc1: {  	[dreg:$0x1] =	wrdreg $0xFFFFFFFF  }
0xc2: {  	_ =	task.clear_ibuf [dreg:s7], $0x2FFFF;
	_ =	strace $0x9FFFFFFF  }
0xc3: {  	(tm) =	ssettm $0x7FFFFFFF  }
tec
execute0_lowered:
.L_overlay_start_1:
0x0: {  	(tag) =	ssettag $0x1  }
0x1: {  	s8 =	rddreg [dreg:$0x0]  }
0x2: {  	s17 =	rddreg [dreg:$0x1]  }
0x3: {  	s2 =	rddreg [dreg:$0x2];
	s1 =	stileid.u32  }
0x4: {  	s0 =	rddreg [dreg:$0x3];
	s3 =	simm.s32 $0x0;
	s5 =	srdreg.scid  }
0x5: {  	s4 =	smul.u32 $0x2400, s1;
	[smem:$0x7FF] =	sst s3  }
0x6: {  	s15 =	sand.u32 $0x1, s5;
	s9 =	sshll.u32 s1, $0x7;
	s30 =	sshll.u32 s1, $0x6  }
0x7: {  	_ =	strace $0x80000047;
	s29 =	sshrl.u32 s4, $0x3;
	s6 =	sadd.s32 s4, s2  }
0x8: {  	s10 =	sshll.u32 s15, $0x6;
	s5 =	sadd.s32 s29, s8;
	s7 =	sshrl.u32 s6, $0x3  }
0x9: {  	s6 =	simm.s32 $0x1;
	s4 =	sadd.s32 $0x1400, s5;
	s5 =	sor.u32 $0x1C01, s30  }
0xa: {  	[spmem:s7], [sflag:s5] =	dma.local [hbm:s4], $0x480  }
0xb: {  	s9 =	sor.u32 s10, s9;
	_ =	swait.ge [sflag:s6], $0x480  }
0xc: {  	s9 =	sadd.s32 s9, s8;
	[sflag:s6] =	ssyncset.done $0x0  }
0xd: {  	s8 =	sadd.s32 $0x400, s9;
	[sflag:s6] =	ssyncadd.s32 $0xFFFFFB80  }
0xe: {  	[tilespmem:s3], [sflag:$0x1] =	stream.linear.gather [hbm4b:s8+s3], $0x200, $0x38;
	[tilespmem:$0x2800] =	vst v63  }
0xf: {  	_ =	swait.ge [sflag:s6], $0x200  }
0x10: {  	[sflag:s6] =	ssyncset.done $0x0  }
0x11: {  	s10 =	simm.s32 $0x200;
	s9 =	sadd.s32 $0xC00, s9;
	[sflag:s6] =	ssyncadd.s32 $0xFFFFFE00  }
0x12: {  	[tilespmem:s10], [sflag:$0x1] =	stream.linear.gather [hbm4b:s9+s3], $0x200, $0x38;
	[tilespmem:$0x2800] =	vst v63  }
0x13: {  	_ =	swait.ge [sflag:s6], $0x200  }
0x14: {  	[sflag:s6] =	ssyncset.done $0x0  }
0x15: {  	[sflag:s6] =	ssyncadd.s32 $0xFFFFFE00  }
0x16: {  	s11 =	simm.s32 $0x80;
	[bflag:$0x0] =	sbarrier.arrive $0xFFFF  }
0x17: {  	[spmem:s2] =	stream.indirect.scatter.add.f32 [tilespmem:s10], [sflag:$0x1], $0x1, s3, s11, $0xb8;
	[tilespmem:$0x2800] =	vst v63  }
0x18: {  	_ =	swait.ge [sflag:s6], $0x80  }
0x19: {  	[sflag:s6] =	ssyncset.done $0x0  }
0x1a: {  	s12 =	simm.s32 $0x280;
	[sflag:s6] =	ssyncadd.s32 $0xFFFFFF80  }
0x1b: {  	[spmem:s2] =	stream.indirect.scatter.add.f32 [tilespmem:s12], [sflag:$0x1], $0x1, s11, s11, $0xb8;
	[tilespmem:$0x2800] =	vst v63  }
0x1c: {  	_ =	swait.ge [sflag:s6], $0x80  }
0x1d: {  	s13 =	simm.s32 $0x100;
	[sflag:s6] =	ssyncset.done $0x0  }
0x1e: {  	s14 =	simm.s32 $0x300;
	s16 =	simm.s32 $0x380;
	[sflag:s6] =	ssyncadd.s32 $0xFFFFFF80  }
0x1f: {  	[spmem:s2] =	stream.indirect.scatter.add.f32 [tilespmem:s14], [sflag:$0x1], $0x1, s13, s11, $0xb8;
	[tilespmem:$0x2800] =	vst v63  }
0x20: {  	s19 =	smul.u32 $0x4800, s1;
	s18 =	ssub.s32 $0x2, s15;
	_ =	swait.ge [sflag:s6], $0x80  }
0x21: {  	s20 =	sshll.u32 s15, $0x7;
	s31 =	sshrl.u32 s18, $0x1;
	[sflag:s6] =	ssyncset.done $0x0  }
0x22: {  	s15 =	simm.s32 $0x180;
	s18 =	ssub.s32 s18, s31;
	[sflag:s6] =	ssyncadd.s32 $0xFFFFFF80  }
0x23: {  	[spmem:s2] =	stream.indirect.scatter.add.f32 [tilespmem:s16], [sflag:$0x1], $0x1, s15, s11, $0xb8;
	[tilespmem:$0x2800] =	vst v63  }
0x24: {  	s19 =	sor.u32 s20, s19;
	s20 =	smax.u32 s18, $0x1;
	_ =	swait.ge [sflag:s6], $0x80  }
0x25: {  	s19 =	sshrl.u32 s19, $0x3;
	p0 =	sne.s32 s20, $0x1;
	[sflag:s6] =	ssyncset.done $0x0  }
.Ltmp0:
0x26: {  	s17 =	sadd.s32 s17, s19;
	[sflag:s6] =	ssyncadd.s32 $0xFFFFFF80;
	(pc) =	sbr.rel @!p0 .LBB2_2-.Ltmp0, $4  }
0x27: {  	s18 =	simm.s32 $0x20;
	s19 =	simm.s32 $0x10;
	[bflag:$0x0] =	sbarrier.arrive $0xFFFF  }
0x28: {  	[hbm:s17@s18], [sflag:s5] =	dma.strided [spmem:s7@s19], $0x480, s6, $0x10   }
0x29: {  	_ =	swait.ge [sflag:s6], $0x480  }
0x2a: {  	s20 =	sadd.s32 $0xFFFFFFFF, s20;
	[sflag:s6] =	ssyncset.done $0x0  }
.LBB2_1:
0x2b: {  	p0 =	sne.s32 s20, $0x1;
	s20 =	sadd.s32 $0xFFFFFFFF, s20;
	[sflag:s6] =	ssyncadd.s32 $0xFFFFFB80  }
0x2c: {  	[spmem:s7], [sflag:s5] =	dma.local [hbm:s4], $0x480  }
0x2d: {  	_ =	swait.ge [sflag:s6], $0x480  }
0x2e: {  	[sflag:s6] =	ssyncset.done $0x0  }
0x2f: {  	[sflag:s6] =	ssyncadd.s32 $0xFFFFFB80  }
0x30: {  	[tilespmem:s3], [sflag:$0x1] =	stream.linear.gather [hbm4b:s8+s3], $0x200, $0x38;
	[tilespmem:$0x2800] =	vst v63  }
0x31: {  	_ =	swait.ge [sflag:s6], $0x200  }
0x32: {  	[sflag:s6] =	ssyncset.done $0x0  }
0x33: {  	[sflag:s6] =	ssyncadd.s32 $0xFFFFFE00  }
0x34: {  	[tilespmem:s10], [sflag:$0x1] =	stream.linear.gather [hbm4b:s9+s3], $0x200, $0x38;
	[tilespmem:$0x2800] =	vst v63  }
0x35: {  	_ =	swait.ge [sflag:s6], $0x200  }
0x36: {  	[sflag:s6] =	ssyncset.done $0x0  }
0x37: {  	[sflag:s6] =	ssyncadd.s32 $0xFFFFFE00  }
0x38: {  	[bflag:$0x0] =	sbarrier.arrive $0xFFFF  }
0x39: {  	[spmem:s2] =	stream.indirect.scatter.add.f32 [tilespmem:s10], [sflag:$0x1], $0x1, s3, s11, $0xb8;
	[tilespmem:$0x2800] =	vst v63  }
0x3a: {  	_ =	swait.ge [sflag:s6], $0x80  }
0x3b: {  	[sflag:s6] =	ssyncset.done $0x0  }
0x3c: {  	[sflag:s6] =	ssyncadd.s32 $0xFFFFFF80  }
0x3d: {  	[spmem:s2] =	stream.indirect.scatter.add.f32 [tilespmem:s12], [sflag:$0x1], $0x1, s11, s11, $0xb8;
	[tilespmem:$0x2800] =	vst v63  }
0x3e: {  	_ =	swait.ge [sflag:s6], $0x80  }
0x3f: {  	[sflag:s6] =	ssyncset.done $0x0  }
0x40: {  	[sflag:s6] =	ssyncadd.s32 $0xFFFFFF80  }
0x41: {  	[spmem:s2] =	stream.indirect.scatter.add.f32 [tilespmem:s14], [sflag:$0x1], $0x1, s13, s11, $0xb8;
	[tilespmem:$0x2800] =	vst v63  }
0x42: {  	_ =	swait.ge [sflag:s6], $0x80  }
0x43: {  	[sflag:s6] =	ssyncset.done $0x0  }
0x44: {  	[sflag:s6] =	ssyncadd.s32 $0xFFFFFF80  }
0x45: {  	[spmem:s2] =	stream.indirect.scatter.add.f32 [tilespmem:s16], [sflag:$0x1], $0x1, s15, s11, $0xb8;
	[tilespmem:$0x2800] =	vst v63  }
0x46: {  	_ =	swait.ge [sflag:s6], $0x80  }
0x47: {  	[sflag:s6] =	ssyncset.done $0x0  }
.Ltmp1:
0x48: {  	[sflag:s6] =	ssyncadd.s32 $0xFFFFFF80;
	(pc) =	sbr.rel @p0 .LBB2_1-.Ltmp1, $4  }
0x49: {  	[bflag:$0x0] =	sbarrier.arrive $0xFFFF  }
0x4a: {  	[hbm:s17@s18], [sflag:s5] =	dma.strided [spmem:s7@s19], $0x480, s6, $0x10   }
0x4b: {  	_ =	swait.ge [sflag:s6], $0x480  }
0x4c: {  	[sflag:s6] =	ssyncset.done $0x0  }
.LBB2_2:
0x4d: {  	[sflag:s6] =	ssyncadd.s32 $0xFFFFFB80  }
0x4e: {  	_ =	sfence.sel $0x180000  }
0x4f: {  	[bflag:$0x0] =	sbarrier.arrive $0xFFFF  }
0x50: {  	p0 =	sne.s32 s1, $0x0;
	_ =	strace $0x90000047  }
0x51: {  	s0 =	sadd.s32 @!p0 $0x100000, s0;
	[bflag:$0x2] =	sbarrier.arrive $0xFFFF  }
0x52: {  	[sflag:s0] =	ssyncadd.tile.s32 @!p0 $0x1;
	_ =	shalt  }
.Lfunc_end2:
_tile_overlayer_lowered:
.L_overlay_start_2:
0x53: {  	(tag) =	ssettag $0x2  }
0x54: {  	s0 =	rddreg [dreg:$0x0];
	s2 =	stileid.u32  }
0x55: {  	s1 =	rddreg [dreg:$0x1];
	p0 =	sne.s32 s2, $0x0  }
0x56: {  	s3 =	rddreg [dreg:$0x2];
	[bflag:$0x3] =	sbarrier.arrive $0xFFFF;
	s2 =	simm.s32 @!p0 $0x1C01  }
0x57: {  	[timem:s3], [sflag:s2] =	dma.local @!p0 [hbm:s0], s1  }
0x58: {  	s0 =	simm.s32 @!p0 $0x1  }
0x59: {  	_ =	swait.ge @!p0 [sflag:s0], s1  }
0x5a: {  	s1 =	ssub.s32 @!p0 $0x0, s1;
	[sflag:s0] =	ssyncset.done @!p0 $0x0  }
0x5b: {  	[sflag:s0] =	ssyncadd.s32 @!p0 s1  }
0x5c: {  	[bflag:$0x3] =	sbarrier.arrive $0xFFFF  }
0x5d: {  	_ =	shalt  }

</sc_bundles>
